<compile_context>
chip_gen: v7x
topology: tpu7x:2x2x1
jax: 0.10.2.dev20260603
libtpu: 0.0.44.dev20260713+nightly
codegen_flags: <defaults>
</compile_context>

<pallas_src>
import functools

import jax
import jax.numpy as jnp
from jax import lax
from jax.experimental import pallas as pl
from jax.experimental.pallas import tpu as pltpu, tpu_sc as plsc

N_HEADS = 4
N_EMB = 8192
HDIM = 16
N_TOK = 8192
TOK_BLK = 1024
N_WORKERS = 32
IDX_CHUNK = 128


def _tc_body(x_ref, wt_ref, idx_ref):
    idx_cols = []
    for h in range(N_HEADS):
        x_h = x_ref[:, h * HDIM:(h + 1) * HDIM]
        wt_h = wt_ref[h]
        s = lax.dot_general(x_h, wt_h, (((1,), (0,)), ((), ())),
                            preferred_element_type=jnp.float32)
        t = s - 0.5 * jnp.sum(wt_h * wt_h, axis=0)[None, :]
        i_h = jnp.argmax(t, axis=1).astype(jnp.int32)
        idx_cols.append(i_h + h * N_EMB)
    idx_ref[0] = jnp.stack(idx_cols, axis=1)


_B_PER_W = N_TOK * N_HEADS // N_WORKERS
_N_CHUNK = _B_PER_W // IDX_CHUNK


@functools.cache
def _make_sc_gather():
    @functools.partial(
        pl.kernel,
        out_type=(
            jax.ShapeDtypeStruct((N_TOK * N_HEADS, HDIM), jnp.float32),
            jax.ShapeDtypeStruct((N_WORKERS, HDIM), jnp.float32),
        ),
        mesh=plsc.VectorSubcoreMesh(core_axis_name="c", subcore_axis_name="s"),
        scratch_types=[
            pltpu.VMEM((_N_CHUNK, IDX_CHUNK), jnp.int32),
            pltpu.VMEM((_B_PER_W, HDIM), jnp.float32),
            pltpu.VMEM((_B_PER_W, HDIM), jnp.float32),
            pltpu.VMEM((HDIM,), jnp.float32),
            pltpu.SemaphoreType.DMA,
            pltpu.SemaphoreType.DMA,
        ],
        compiler_params=pltpu.CompilerParams(use_tc_tiling_on_sc=False),
    )
    def _sc_gather(idx_hbm, table_hbm, x_hbm, out_hbm, part_hbm,
                   idx_v, rows_v, x_v, part_v, sem, xsem):
        wid = lax.axis_index("s") * 2 + lax.axis_index("c")
        base = wid * _B_PER_W
        pltpu.sync_copy(idx_hbm.at[wid], idx_v)
        xcp = pltpu.async_copy(x_hbm.at[pl.ds(base, _B_PER_W)], x_v, xsem)
        copies = [
            pltpu.async_copy(table_hbm.at[idx_v.at[j]],
                             rows_v.at[pl.ds(j * IDX_CHUNK, IDX_CHUNK)], sem)
            for j in range(_N_CHUNK)
        ]
        for cp in copies:
            cp.wait()
        xcp.wait()

        def body(i, acc):
            d = rows_v[i] - x_v[i]
            return acc + d * d

        acc = lax.fori_loop(0, _B_PER_W, body, jnp.zeros((HDIM,), jnp.float32))
        part_v[...] = acc
        pltpu.sync_copy(part_v, part_hbm.at[wid])
        pltpu.sync_copy(rows_v, out_hbm.at[pl.ds(base, _B_PER_W)])

    return _sc_gather


def kernel(inputs, weights):
    x2d = inputs.reshape(N_TOK, N_HEADS * HDIM)
    wt = jnp.swapaxes(weights, 1, 2)

    n_tb = N_TOK // TOK_BLK
    gidx = pl.pallas_call(
        _tc_body,
        grid=(n_tb,),
        in_specs=[
            pl.BlockSpec((TOK_BLK, N_HEADS * HDIM), lambda t: (t, 0)),
            pl.BlockSpec((N_HEADS, HDIM, N_EMB), lambda t: (0, 0, 0)),
        ],
        out_specs=pl.BlockSpec((1, TOK_BLK, N_HEADS), lambda t: (t, 0, 0)),
        out_shape=jax.ShapeDtypeStruct((n_tb, TOK_BLK, N_HEADS), jnp.int32),
    )(x2d, wt)

    idx3 = gidx.reshape(N_WORKERS, _N_CHUNK, IDX_CHUNK)
    table = weights.reshape(N_HEADS * N_EMB, HDIM)
    xrows = inputs.reshape(N_TOK * N_HEADS, HDIM)
    q, parts = _make_sc_gather()(idx3, table, xrows)
    q = q.reshape(inputs.shape)

    loss = 0.25 * jnp.sum(parts) / inputs.size
    return loss, q

# --- scband reference (transcript-rebuilt; emitter-appended) ---
"""Pipeline reference for scband-vector-quantizer-multi-head-72026601554053 (READ-ONLY COPY).

The authoritative reference and input builder live on the scoring server;
editing this copy changes nothing except your own understanding.
"""

import jax, jax.numpy as jnp
import numpy as np

NUM_HEADS = 4
NUM_EMB = 8192
HEAD_DIM = 16  # embedding_dim(64) // num_heads(4)
COMMITMENT_COST = 0.25


def setup_inputs(seed: int = 0) -> dict:
    key = jax.random.key(seed)
    k1, k2 = jax.random.split(key)
    inputs = jax.random.normal(k1, (8, 1024, 64), dtype=jnp.float32)
    # per-head codebooks, init ~ N(0,1) as in the torch module
    weights = jax.random.normal(k2, (NUM_HEADS, NUM_EMB, HEAD_DIM), dtype=jnp.float32)
    return {"inputs": inputs, "weights": weights}


def reference(inputs, weights):
    input_shape = inputs.shape
    flat_input = inputs.reshape(-1, NUM_HEADS, HEAD_DIM)
    quantized_list = []
    for head_ix in range(NUM_HEADS):
        this_input = flat_input[:, head_ix, :]
        w = weights[head_ix]
        distances = (jnp.sum(this_input ** 2, axis=1, keepdims=True)
                     + jnp.sum(w ** 2, axis=1)
                     - 2.0 * jnp.matmul(this_input, w.T))
        encoding_indices = jnp.argmin(distances, axis=1)
        # torch: scatter one-hot then matmul with codebook
        encodings = jax.nn.one_hot(encoding_indices, NUM_EMB, dtype=inputs.dtype)
        this_quantized = jnp.matmul(encodings, w)
        quantized_list.append(this_quantized)
    quantized = jnp.concatenate(quantized_list, axis=1).reshape(input_shape)
    # ema=True -> q_latent_loss = 0
    e_latent_loss = jnp.mean((jax.lax.stop_gradient(quantized) - inputs) ** 2)
    loss = COMMITMENT_COST * e_latent_loss
    # residual=False -> straight-through estimator
    quantized_st = inputs + jax.lax.stop_gradient(quantized - inputs)
    return loss, quantized_st

if __name__ == "__main__":
    import jax
    _d = setup_inputs()
    print(jax.jit(kernel)(*tuple(_d.values())))

</pallas_src>

<mosaic_0001>
#map = affine_map<(d0, d1) -> (0, 0, 0)>
#map1 = affine_map<(d0, d1) -> (0, 0)>
module attributes {stable_mosaic.version = 14 : i64} {
  func.func @_sc_gather(%arg0: i32, %arg1: i32, %arg2: memref<32x8x128xi32, #tpu.memory_space<hbm>>, %arg3: memref<32768x16xf32, #tpu.memory_space<hbm>>, %arg4: memref<32768x16xf32, #tpu.memory_space<hbm>>, %arg5: memref<32768x16xf32, #tpu.memory_space<hbm>>, %arg6: memref<32x16xf32, #tpu.memory_space<hbm>>, %arg7: memref<8x128xi32, #tpu.memory_space<vmem>>, %arg8: memref<1024x16xf32, #tpu.memory_space<vmem>>, %arg9: memref<1024x16xf32, #tpu.memory_space<vmem>>, %arg10: memref<16xf32, #tpu.memory_space<vmem>>, %arg11: memref<!tpu.dma_semaphore, #tpu.memory_space<semaphore_mem>>, %arg12: memref<!tpu.dma_semaphore, #tpu.memory_space<semaphore_mem>>) attributes {dimension_semantics = [#tpu.dimension_semantics<core_parallel>, #tpu.dimension_semantics<subcore_parallel>], iteration_bounds = array<i64: 2, 16>, scalar_prefetch = 0 : i64, scratch_operands = 6 : i64, tpu.core_type = #tpu.core_type<sc_vector_subcore>, window_params = [{transform_indices = #map}, {transform_indices = #map1}, {transform_indices = #map1}, {transform_indices = #map1}, {transform_indices = #map1}]} {
    %mul3A = arith.constant 2 : i32
    %mul3A_0 = arith.muli %arg1, %mul3A : i32
    %add3A = arith.addi %mul3A_0, %arg0 : i32
    %mul3A_1 = arith.constant 1024 : i32
    %mul3A_2 = arith.muli %add3A, %mul3A_1 : i32
    "tpu.region"() ({
      %run_scoped3A = tpu.sem_alloc : memref<!tpu.dma_semaphore, #tpu.memory_space<semaphore_mem>>
      %dma_start3A_178 = arith.constant 0 : i32
      %dma_start3A_179 = arith.constant 0 : i32
      %dma_start3A_180 = tpu.memref_slice %arg2[%add3A, %dma_start3A_178, %dma_start3A_179] : memref<32x8x128xi32, #tpu.memory_space<hbm>> -> memref<1x8x128xi32, #tpu.memory_space<hbm>>
      %dma_start3A_181 = tpu.memref_squeeze %dma_start3A_180 : memref<1x8x128xi32, #tpu.memory_space<hbm>> -> memref<8x128xi32, #tpu.memory_space<hbm>>
      %dma_start3A_182 = arith.constant 0 : i32
      %dma_start3A_183 = arith.constant 0 : i32
      %dma_start3A_184 = tpu.memref_slice %arg2[%add3A, %dma_start3A_182, %dma_start3A_183] : memref<32x8x128xi32, #tpu.memory_space<hbm>> -> memref<1x8x128xi32, #tpu.memory_space<hbm>>
      %dma_start3A_185 = tpu.memref_squeeze %dma_start3A_184 : memref<1x8x128xi32, #tpu.memory_space<hbm>> -> memref<8x128xi32, #tpu.memory_space<hbm>>
      tpu.enqueue_dma source(%dma_start3A_185 : memref<8x128xi32, #tpu.memory_space<hbm>>) target(%arg7 : memref<8x128xi32, #tpu.memory_space<vmem>>) target_semaphore(%run_scoped3A : memref<!tpu.dma_semaphore, #tpu.memory_space<semaphore_mem>>)
      %dma_wait3A_186 = arith.constant 0 : i32
      %dma_wait3A_187 = arith.constant 0 : i32
      %dma_wait3A_188 = tpu.memref_slice %arg2[%add3A, %dma_wait3A_186, %dma_wait3A_187] : memref<32x8x128xi32, #tpu.memory_space<hbm>> -> memref<1x8x128xi32, #tpu.memory_space<hbm>>
      %dma_wait3A_189 = tpu.memref_squeeze %dma_wait3A_188 : memref<1x8x128xi32, #tpu.memory_space<hbm>> -> memref<8x128xi32, #tpu.memory_space<hbm>>
      %dma_wait3A_190 = arith.constant 0 : i32
      %dma_wait3A_191 = arith.constant 0 : i32
      %dma_wait3A_192 = tpu.memref_slice %arg2[%add3A, %dma_wait3A_190, %dma_wait3A_191] : memref<32x8x128xi32, #tpu.memory_space<hbm>> -> memref<1x8x128xi32, #tpu.memory_space<hbm>>
      %dma_wait3A_193 = tpu.memref_squeeze %dma_wait3A_192 : memref<1x8x128xi32, #tpu.memory_space<hbm>> -> memref<8x128xi32, #tpu.memory_space<hbm>>
      tpu.wait_dma2 semaphore(%run_scoped3A : memref<!tpu.dma_semaphore, #tpu.memory_space<semaphore_mem>>) src(%dma_wait3A_193 : memref<8x128xi32, #tpu.memory_space<hbm>>) dst(%arg7 : memref<8x128xi32, #tpu.memory_space<vmem>>)
      tpu.yield
    }) : () -> ()
    %dma_start3A = arith.constant 0 : i32
    %dma_start3A_3 = tpu.memref_slice %arg4[%mul3A_2, %dma_start3A] : memref<32768x16xf32, #tpu.memory_space<hbm>> -> memref<1024x16xf32, #tpu.memory_space<hbm>>
    %dma_start3A_4 = arith.constant 0 : i32
    %dma_start3A_5 = tpu.memref_slice %arg4[%mul3A_2, %dma_start3A_4] : memref<32768x16xf32, #tpu.memory_space<hbm>> -> memref<1024x16xf32, #tpu.memory_space<hbm>>
    tpu.enqueue_dma source(%dma_start3A_5 : memref<1024x16xf32, #tpu.memory_space<hbm>>) target(%arg9 : memref<1024x16xf32, #tpu.memory_space<vmem>>) target_semaphore(%arg12 : memref<!tpu.dma_semaphore, #tpu.memory_space<semaphore_mem>>)
    %dma_start3A_6 = arith.constant 0 : i32
    %dma_start3A_7 = arith.constant 0 : i32
    %dma_start3A_8 = arith.constant 0 : i32
    %dma_start3A_9 = tpu.memref_slice %arg8[%dma_start3A_7, %dma_start3A_8] : memref<1024x16xf32, #tpu.memory_space<vmem>> -> memref<128x16xf32, #tpu.memory_space<vmem>>
    %dma_start3A_10 = arith.constant 0 : i32
    %dma_start3A_11 = tpu.memref_slice %arg7[%dma_start3A_6, %dma_start3A_10] : memref<8x128xi32, #tpu.memory_space<vmem>> -> memref<1x128xi32, #tpu.memory_space<vmem>>
    %dma_start3A_12 = tpu.memref_squeeze %dma_start3A_11 : memref<1x128xi32, #tpu.memory_space<vmem>> -> memref<128xi32, #tpu.memory_space<vmem>>
    %dma_start3A_13 = arith.constant 0 : i32
    %dma_start3A_14 = arith.constant 0 : i32
    %dma_start3A_15 = tpu.memref_slice %arg3[%dma_start3A_13, %dma_start3A_14] : memref<32768x16xf32, #tpu.memory_space<hbm>> -> memref<32768x16xf32, #tpu.memory_space<hbm>>
    tpu.enqueue_indirect_dma source(%dma_start3A_15 : memref<32768x16xf32, #tpu.memory_space<hbm>>) target(%dma_start3A_9 : memref<128x16xf32, #tpu.memory_space<vmem>>) offsets(%dma_start3A_12 : memref<128xi32, #tpu.memory_space<vmem>>) semaphore(%arg11 : memref<!tpu.dma_semaphore, #tpu.memory_space<semaphore_mem>>)
    %dma_start3A_16 = arith.constant 1 : i32
    %dma_start3A_17 = arith.constant 128 : i32
    %dma_start3A_18 = arith.constant 0 : i32
    %dma_start3A_19 = tpu.memref_slice %arg8[%dma_start3A_17, %dma_start3A_18] : memref<1024x16xf32, #tpu.memory_space<vmem>> -> memref<128x16xf32, #tpu.memory_space<vmem>>
    %dma_start3A_20 = arith.constant 0 : i32
    %dma_start3A_21 = tpu.memref_slice %arg7[%dma_start3A_16, %dma_start3A_20] : memref<8x128xi32, #tpu.memory_space<vmem>> -> memref<1x128xi32, #tpu.memory_space<vmem>>
    %dma_start3A_22 = tpu.memref_squeeze %dma_start3A_21 : memref<1x128xi32, #tpu.memory_space<vmem>> -> memref<128xi32, #tpu.memory_space<vmem>>
    %dma_start3A_23 = arith.constant 0 : i32
    %dma_start3A_24 = arith.constant 0 : i32
    %dma_start3A_25 = tpu.memref_slice %arg3[%dma_start3A_23, %dma_start3A_24] : memref<32768x16xf32, #tpu.memory_space<hbm>> -> memref<32768x16xf32, #tpu.memory_space<hbm>>
    tpu.enqueue_indirect_dma source(%dma_start3A_25 : memref<32768x16xf32, #tpu.memory_space<hbm>>) target(%dma_start3A_19 : memref<128x16xf32, #tpu.memory_space<vmem>>) offsets(%dma_start3A_22 : memref<128xi32, #tpu.memory_space<vmem>>) semaphore(%arg11 : memref<!tpu.dma_semaphore, #tpu.memory_space<semaphore_mem>>)
    %dma_start3A_26 = arith.constant 2 : i32
    %dma_start3A_27 = arith.constant 256 : i32
    %dma_start3A_28 = arith.constant 0 : i32
    %dma_start3A_29 = tpu.memref_slice %arg8[%dma_start3A_27, %dma_start3A_28] : memref<1024x16xf32, #tpu.memory_space<vmem>> -> memref<128x16xf32, #tpu.memory_space<vmem>>
    %dma_start3A_30 = arith.constant 0 : i32
    %dma_start3A_31 = tpu.memref_slice %arg7[%dma_start3A_26, %dma_start3A_30] : memref<8x128xi32, #tpu.memory_space<vmem>> -> memref<1x128xi32, #tpu.memory_space<vmem>>
    %dma_start3A_32 = tpu.memref_squeeze %dma_start3A_31 : memref<1x128xi32, #tpu.memory_space<vmem>> -> memref<128xi32, #tpu.memory_space<vmem>>
    %dma_start3A_33 = arith.constant 0 : i32
    %dma_start3A_34 = arith.constant 0 : i32
    %dma_start3A_35 = tpu.memref_slice %arg3[%dma_start3A_33, %dma_start3A_34] : memref<32768x16xf32, #tpu.memory_space<hbm>> -> memref<32768x16xf32, #tpu.memory_space<hbm>>
    tpu.enqueue_indirect_dma source(%dma_start3A_35 : memref<32768x16xf32, #tpu.memory_space<hbm>>) target(%dma_start3A_29 : memref<128x16xf32, #tpu.memory_space<vmem>>) offsets(%dma_start3A_32 : memref<128xi32, #tpu.memory_space<vmem>>) semaphore(%arg11 : memref<!tpu.dma_semaphore, #tpu.memory_space<semaphore_mem>>)
    %dma_start3A_36 = arith.constant 3 : i32
    %dma_start3A_37 = arith.constant 384 : i32
    %dma_start3A_38 = arith.constant 0 : i32
    %dma_start3A_39 = tpu.memref_slice %arg8[%dma_start3A_37, %dma_start3A_38] : memref<1024x16xf32, #tpu.memory_space<vmem>> -> memref<128x16xf32, #tpu.memory_space<vmem>>
    %dma_start3A_40 = arith.constant 0 : i32
    %dma_start3A_41 = tpu.memref_slice %arg7[%dma_start3A_36, %dma_start3A_40] : memref<8x128xi32, #tpu.memory_space<vmem>> -> memref<1x128xi32, #tpu.memory_space<vmem>>
    %dma_start3A_42 = tpu.memref_squeeze %dma_start3A_41 : memref<1x128xi32, #tpu.memory_space<vmem>> -> memref<128xi32, #tpu.memory_space<vmem>>
    %dma_start3A_43 = arith.constant 0 : i32
    %dma_start3A_44 = arith.constant 0 : i32
    %dma_start3A_45 = tpu.memref_slice %arg3[%dma_start3A_43, %dma_start3A_44] : memref<32768x16xf32, #tpu.memory_space<hbm>> -> memref<32768x16xf32, #tpu.memory_space<hbm>>
    tpu.enqueue_indirect_dma source(%dma_start3A_45 : memref<32768x16xf32, #tpu.memory_space<hbm>>) target(%dma_start3A_39 : memref<128x16xf32, #tpu.memory_space<vmem>>) offsets(%dma_start3A_42 : memref<128xi32, #tpu.memory_space<vmem>>) semaphore(%arg11 : memref<!tpu.dma_semaphore, #tpu.memory_space<semaphore_mem>>)
    %dma_start3A_46 = arith.constant 4 : i32
    %dma_start3A_47 = arith.constant 512 : i32
    %dma_start3A_48 = arith.constant 0 : i32
    %dma_start3A_49 = tpu.memref_slice %arg8[%dma_start3A_47, %dma_start3A_48] : memref<1024x16xf32, #tpu.memory_space<vmem>> -> memref<128x16xf32, #tpu.memory_space<vmem>>
    %dma_start3A_50 = arith.constant 0 : i32
    %dma_start3A_51 = tpu.memref_slice %arg7[%dma_start3A_46, %dma_start3A_50] : memref<8x128xi32, #tpu.memory_space<vmem>> -> memref<1x128xi32, #tpu.memory_space<vmem>>
    %dma_start3A_52 = tpu.memref_squeeze %dma_start3A_51 : memref<1x128xi32, #tpu.memory_space<vmem>> -> memref<128xi32, #tpu.memory_space<vmem>>
    %dma_start3A_53 = arith.constant 0 : i32
    %dma_start3A_54 = arith.constant 0 : i32
    %dma_start3A_55 = tpu.memref_slice %arg3[%dma_start3A_53, %dma_start3A_54] : memref<32768x16xf32, #tpu.memory_space<hbm>> -> memref<32768x16xf32, #tpu.memory_space<hbm>>
    tpu.enqueue_indirect_dma source(%dma_start3A_55 : memref<32768x16xf32, #tpu.memory_space<hbm>>) target(%dma_start3A_49 : memref<128x16xf32, #tpu.memory_space<vmem>>) offsets(%dma_start3A_52 : memref<128xi32, #tpu.memory_space<vmem>>) semaphore(%arg11 : memref<!tpu.dma_semaphore, #tpu.memory_space<semaphore_mem>>)
    %dma_start3A_56 = arith.constant 5 : i32
    %dma_start3A_57 = arith.constant 640 : i32
    %dma_start3A_58 = arith.constant 0 : i32
    %dma_start3A_59 = tpu.memref_slice %arg8[%dma_start3A_57, %dma_start3A_58] : memref<1024x16xf32, #tpu.memory_space<vmem>> -> memref<128x16xf32, #tpu.memory_space<vmem>>
    %dma_start3A_60 = arith.constant 0 : i32
    %dma_start3A_61 = tpu.memref_slice %arg7[%dma_start3A_56, %dma_start3A_60] : memref<8x128xi32, #tpu.memory_space<vmem>> -> memref<1x128xi32, #tpu.memory_space<vmem>>
    %dma_start3A_62 = tpu.memref_squeeze %dma_start3A_61 : memref<1x128xi32, #tpu.memory_space<vmem>> -> memref<128xi32, #tpu.memory_space<vmem>>
    %dma_start3A_63 = arith.constant 0 : i32
    %dma_start3A_64 = arith.constant 0 : i32
    %dma_start3A_65 = tpu.memref_slice %arg3[%dma_start3A_63, %dma_start3A_64] : memref<32768x16xf32, #tpu.memory_space<hbm>> -> memref<32768x16xf32, #tpu.memory_space<hbm>>
    tpu.enqueue_indirect_dma source(%dma_start3A_65 : memref<32768x16xf32, #tpu.memory_space<hbm>>) target(%dma_start3A_59 : memref<128x16xf32, #tpu.memory_space<vmem>>) offsets(%dma_start3A_62 : memref<128xi32, #tpu.memory_space<vmem>>) semaphore(%arg11 : memref<!tpu.dma_semaphore, #tpu.memory_space<semaphore_mem>>)
    %dma_start3A_66 = arith.constant 6 : i32
    %dma_start3A_67 = arith.constant 768 : i32
    %dma_start3A_68 = arith.constant 0 : i32
    %dma_start3A_69 = tpu.memref_slice %arg8[%dma_start3A_67, %dma_start3A_68] : memref<1024x16xf32, #tpu.memory_space<vmem>> -> memref<128x16xf32, #tpu.memory_space<vmem>>
    %dma_start3A_70 = arith.constant 0 : i32
    %dma_start3A_71 = tpu.memref_slice %arg7[%dma_start3A_66, %dma_start3A_70] : memref<8x128xi32, #tpu.memory_space<vmem>> -> memref<1x128xi32, #tpu.memory_space<vmem>>
    %dma_start3A_72 = tpu.memref_squeeze %dma_start3A_71 : memref<1x128xi32, #tpu.memory_space<vmem>> -> memref<128xi32, #tpu.memory_space<vmem>>
    %dma_start3A_73 = arith.constant 0 : i32
    %dma_start3A_74 = arith.constant 0 : i32
    %dma_start3A_75 = tpu.memref_slice %arg3[%dma_start3A_73, %dma_start3A_74] : memref<32768x16xf32, #tpu.memory_space<hbm>> -> memref<32768x16xf32, #tpu.memory_space<hbm>>
    tpu.enqueue_indirect_dma source(%dma_start3A_75 : memref<32768x16xf32, #tpu.memory_space<hbm>>) target(%dma_start3A_69 : memref<128x16xf32, #tpu.memory_space<vmem>>) offsets(%dma_start3A_72 : memref<128xi32, #tpu.memory_space<vmem>>) semaphore(%arg11 : memref<!tpu.dma_semaphore, #tpu.memory_space<semaphore_mem>>)
    %dma_start3A_76 = arith.constant 7 : i32
    %dma_start3A_77 = arith.constant 896 : i32
    %dma_start3A_78 = arith.constant 0 : i32
    %dma_start3A_79 = tpu.memref_slice %arg8[%dma_start3A_77, %dma_start3A_78] : memref<1024x16xf32, #tpu.memory_space<vmem>> -> memref<128x16xf32, #tpu.memory_space<vmem>>
    %dma_start3A_80 = arith.constant 0 : i32
    %dma_start3A_81 = tpu.memref_slice %arg7[%dma_start3A_76, %dma_start3A_80] : memref<8x128xi32, #tpu.memory_space<vmem>> -> memref<1x128xi32, #tpu.memory_space<vmem>>
    %dma_start3A_82 = tpu.memref_squeeze %dma_start3A_81 : memref<1x128xi32, #tpu.memory_space<vmem>> -> memref<128xi32, #tpu.memory_space<vmem>>
    %dma_start3A_83 = arith.constant 0 : i32
    %dma_start3A_84 = arith.constant 0 : i32
    %dma_start3A_85 = tpu.memref_slice %arg3[%dma_start3A_83, %dma_start3A_84] : memref<32768x16xf32, #tpu.memory_space<hbm>> -> memref<32768x16xf32, #tpu.memory_space<hbm>>
    tpu.enqueue_indirect_dma source(%dma_start3A_85 : memref<32768x16xf32, #tpu.memory_space<hbm>>) target(%dma_start3A_79 : memref<128x16xf32, #tpu.memory_space<vmem>>) offsets(%dma_start3A_82 : memref<128xi32, #tpu.memory_space<vmem>>) semaphore(%arg11 : memref<!tpu.dma_semaphore, #tpu.memory_space<semaphore_mem>>)
    %dma_wait3A = arith.constant 0 : i32
    %dma_wait3A_86 = arith.constant 0 : i32
    %dma_wait3A_87 = arith.constant 0 : i32
    %dma_wait3A_88 = tpu.memref_slice %arg8[%dma_wait3A_86, %dma_wait3A_87] : memref<1024x16xf32, #tpu.memory_space<vmem>> -> memref<128x16xf32, #tpu.memory_space<vmem>>
    %dma_wait3A_89 = arith.constant 0 : i32
    %dma_wait3A_90 = tpu.memref_slice %arg7[%dma_wait3A, %dma_wait3A_89] : memref<8x128xi32, #tpu.memory_space<vmem>> -> memref<1x128xi32, #tpu.memory_space<vmem>>
    %dma_wait3A_91 = tpu.memref_squeeze %dma_wait3A_90 : memref<1x128xi32, #tpu.memory_space<vmem>> -> memref<128xi32, #tpu.memory_space<vmem>>
    %dma_wait3A_92 = arith.constant 0 : i32
    %dma_wait3A_93 = arith.constant 0 : i32
    %dma_wait3A_94 = tpu.memref_slice %arg3[%dma_wait3A_92, %dma_wait3A_93] : memref<32768x16xf32, #tpu.memory_space<hbm>> -> memref<32768x16xf32, #tpu.memory_space<hbm>>
    tpu.wait_indirect_dma semaphore(%arg11 : memref<!tpu.dma_semaphore, #tpu.memory_space<semaphore_mem>>) src(%dma_wait3A_94 : memref<32768x16xf32, #tpu.memory_space<hbm>>) dst(%dma_wait3A_88 : memref<128x16xf32, #tpu.memory_space<vmem>>)
    %dma_wait3A_95 = arith.constant 1 : i32
    %dma_wait3A_96 = arith.constant 128 : i32
    %dma_wait3A_97 = arith.constant 0 : i32
    %dma_wait3A_98 = tpu.memref_slice %arg8[%dma_wait3A_96, %dma_wait3A_97] : memref<1024x16xf32, #tpu.memory_space<vmem>> -> memref<128x16xf32, #tpu.memory_space<vmem>>
    %dma_wait3A_99 = arith.constant 0 : i32
    %dma_wait3A_100 = tpu.memref_slice %arg7[%dma_wait3A_95, %dma_wait3A_99] : memref<8x128xi32, #tpu.memory_space<vmem>> -> memref<1x128xi32, #tpu.memory_space<vmem>>
    %dma_wait3A_101 = tpu.memref_squeeze %dma_wait3A_100 : memref<1x128xi32, #tpu.memory_space<vmem>> -> memref<128xi32, #tpu.memory_space<vmem>>
    %dma_wait3A_102 = arith.constant 0 : i32
    %dma_wait3A_103 = arith.constant 0 : i32
    %dma_wait3A_104 = tpu.memref_slice %arg3[%dma_wait3A_102, %dma_wait3A_103] : memref<32768x16xf32, #tpu.memory_space<hbm>> -> memref<32768x16xf32, #tpu.memory_space<hbm>>
    tpu.wait_indirect_dma semaphore(%arg11 : memref<!tpu.dma_semaphore, #tpu.memory_space<semaphore_mem>>) src(%dma_wait3A_104 : memref<32768x16xf32, #tpu.memory_space<hbm>>) dst(%dma_wait3A_98 : memref<128x16xf32, #tpu.memory_space<vmem>>)
    %dma_wait3A_105 = arith.constant 2 : i32
    %dma_wait3A_106 = arith.constant 256 : i32
    %dma_wait3A_107 = arith.constant 0 : i32
    %dma_wait3A_108 = tpu.memref_slice %arg8[%dma_wait3A_106, %dma_wait3A_107] : memref<1024x16xf32, #tpu.memory_space<vmem>> -> memref<128x16xf32, #tpu.memory_space<vmem>>
    %dma_wait3A_109 = arith.constant 0 : i32
    %dma_wait3A_110 = tpu.memref_slice %arg7[%dma_wait3A_105, %dma_wait3A_109] : memref<8x128xi32, #tpu.memory_space<vmem>> -> memref<1x128xi32, #tpu.memory_space<vmem>>
    %dma_wait3A_111 = tpu.memref_squeeze %dma_wait3A_110 : memref<1x128xi32, #tpu.memory_space<vmem>> -> memref<128xi32, #tpu.memory_space<vmem>>
    %dma_wait3A_112 = arith.constant 0 : i32
    %dma_wait3A_113 = arith.constant 0 : i32
    %dma_wait3A_114 = tpu.memref_slice %arg3[%dma_wait3A_112, %dma_wait3A_113] : memref<32768x16xf32, #tpu.memory_space<hbm>> -> memref<32768x16xf32, #tpu.memory_space<hbm>>
    tpu.wait_indirect_dma semaphore(%arg11 : memref<!tpu.dma_semaphore, #tpu.memory_space<semaphore_mem>>) src(%dma_wait3A_114 : memref<32768x16xf32, #tpu.memory_space<hbm>>) dst(%dma_wait3A_108 : memref<128x16xf32, #tpu.memory_space<vmem>>)
    %dma_wait3A_115 = arith.constant 3 : i32
    %dma_wait3A_116 = arith.constant 384 : i32
    %dma_wait3A_117 = arith.constant 0 : i32
    %dma_wait3A_118 = tpu.memref_slice %arg8[%dma_wait3A_116, %dma_wait3A_117] : memref<1024x16xf32, #tpu.memory_space<vmem>> -> memref<128x16xf32, #tpu.memory_space<vmem>>
    %dma_wait3A_119 = arith.constant 0 : i32
    %dma_wait3A_120 = tpu.memref_slice %arg7[%dma_wait3A_115, %dma_wait3A_119] : memref<8x128xi32, #tpu.memory_space<vmem>> -> memref<1x128xi32, #tpu.memory_space<vmem>>
    %dma_wait3A_121 = tpu.memref_squeeze %dma_wait3A_120 : memref<1x128xi32, #tpu.memory_space<vmem>> -> memref<128xi32, #tpu.memory_space<vmem>>
    %dma_wait3A_122 = arith.constant 0 : i32
    %dma_wait3A_123 = arith.constant 0 : i32
    %dma_wait3A_124 = tpu.memref_slice %arg3[%dma_wait3A_122, %dma_wait3A_123] : memref<32768x16xf32, #tpu.memory_space<hbm>> -> memref<32768x16xf32, #tpu.memory_space<hbm>>
    tpu.wait_indirect_dma semaphore(%arg11 : memref<!tpu.dma_semaphore, #tpu.memory_space<semaphore_mem>>) src(%dma_wait3A_124 : memref<32768x16xf32, #tpu.memory_space<hbm>>) dst(%dma_wait3A_118 : memref<128x16xf32, #tpu.memory_space<vmem>>)
    %dma_wait3A_125 = arith.constant 4 : i32
    %dma_wait3A_126 = arith.constant 512 : i32
    %dma_wait3A_127 = arith.constant 0 : i32
    %dma_wait3A_128 = tpu.memref_slice %arg8[%dma_wait3A_126, %dma_wait3A_127] : memref<1024x16xf32, #tpu.memory_space<vmem>> -> memref<128x16xf32, #tpu.memory_space<vmem>>
    %dma_wait3A_129 = arith.constant 0 : i32
    %dma_wait3A_130 = tpu.memref_slice %arg7[%dma_wait3A_125, %dma_wait3A_129] : memref<8x128xi32, #tpu.memory_space<vmem>> -> memref<1x128xi32, #tpu.memory_space<vmem>>
    %dma_wait3A_131 = tpu.memref_squeeze %dma_wait3A_130 : memref<1x128xi32, #tpu.memory_space<vmem>> -> memref<128xi32, #tpu.memory_space<vmem>>
    %dma_wait3A_132 = arith.constant 0 : i32
    %dma_wait3A_133 = arith.constant 0 : i32
    %dma_wait3A_134 = tpu.memref_slice %arg3[%dma_wait3A_132, %dma_wait3A_133] : memref<32768x16xf32, #tpu.memory_space<hbm>> -> memref<32768x16xf32, #tpu.memory_space<hbm>>
    tpu.wait_indirect_dma semaphore(%arg11 : memref<!tpu.dma_semaphore, #tpu.memory_space<semaphore_mem>>) src(%dma_wait3A_134 : memref<32768x16xf32, #tpu.memory_space<hbm>>) dst(%dma_wait3A_128 : memref<128x16xf32, #tpu.memory_space<vmem>>)
    %dma_wait3A_135 = arith.constant 5 : i32
    %dma_wait3A_136 = arith.constant 640 : i32
    %dma_wait3A_137 = arith.constant 0 : i32
    %dma_wait3A_138 = tpu.memref_slice %arg8[%dma_wait3A_136, %dma_wait3A_137] : memref<1024x16xf32, #tpu.memory_space<vmem>> -> memref<128x16xf32, #tpu.memory_space<vmem>>
    %dma_wait3A_139 = arith.constant 0 : i32
    %dma_wait3A_140 = tpu.memref_slice %arg7[%dma_wait3A_135, %dma_wait3A_139] : memref<8x128xi32, #tpu.memory_space<vmem>> -> memref<1x128xi32, #tpu.memory_space<vmem>>
    %dma_wait3A_141 = tpu.memref_squeeze %dma_wait3A_140 : memref<1x128xi32, #tpu.memory_space<vmem>> -> memref<128xi32, #tpu.memory_space<vmem>>
    %dma_wait3A_142 = arith.constant 0 : i32
    %dma_wait3A_143 = arith.constant 0 : i32
    %dma_wait3A_144 = tpu.memref_slice %arg3[%dma_wait3A_142, %dma_wait3A_143] : memref<32768x16xf32, #tpu.memory_space<hbm>> -> memref<32768x16xf32, #tpu.memory_space<hbm>>
    tpu.wait_indirect_dma semaphore(%arg11 : memref<!tpu.dma_semaphore, #tpu.memory_space<semaphore_mem>>) src(%dma_wait3A_144 : memref<32768x16xf32, #tpu.memory_space<hbm>>) dst(%dma_wait3A_138 : memref<128x16xf32, #tpu.memory_space<vmem>>)
    %dma_wait3A_145 = arith.constant 6 : i32
    %dma_wait3A_146 = arith.constant 768 : i32
    %dma_wait3A_147 = arith.constant 0 : i32
    %dma_wait3A_148 = tpu.memref_slice %arg8[%dma_wait3A_146, %dma_wait3A_147] : memref<1024x16xf32, #tpu.memory_space<vmem>> -> memref<128x16xf32, #tpu.memory_space<vmem>>
    %dma_wait3A_149 = arith.constant 0 : i32
    %dma_wait3A_150 = tpu.memref_slice %arg7[%dma_wait3A_145, %dma_wait3A_149] : memref<8x128xi32, #tpu.memory_space<vmem>> -> memref<1x128xi32, #tpu.memory_space<vmem>>
    %dma_wait3A_151 = tpu.memref_squeeze %dma_wait3A_150 : memref<1x128xi32, #tpu.memory_space<vmem>> -> memref<128xi32, #tpu.memory_space<vmem>>
    %dma_wait3A_152 = arith.constant 0 : i32
    %dma_wait3A_153 = arith.constant 0 : i32
    %dma_wait3A_154 = tpu.memref_slice %arg3[%dma_wait3A_152, %dma_wait3A_153] : memref<32768x16xf32, #tpu.memory_space<hbm>> -> memref<32768x16xf32, #tpu.memory_space<hbm>>
    tpu.wait_indirect_dma semaphore(%arg11 : memref<!tpu.dma_semaphore, #tpu.memory_space<semaphore_mem>>) src(%dma_wait3A_154 : memref<32768x16xf32, #tpu.memory_space<hbm>>) dst(%dma_wait3A_148 : memref<128x16xf32, #tpu.memory_space<vmem>>)
    %dma_wait3A_155 = arith.constant 7 : i32
    %dma_wait3A_156 = arith.constant 896 : i32
    %dma_wait3A_157 = arith.constant 0 : i32
    %dma_wait3A_158 = tpu.memref_slice %arg8[%dma_wait3A_156, %dma_wait3A_157] : memref<1024x16xf32, #tpu.memory_space<vmem>> -> memref<128x16xf32, #tpu.memory_space<vmem>>
    %dma_wait3A_159 = arith.constant 0 : i32
    %dma_wait3A_160 = tpu.memref_slice %arg7[%dma_wait3A_155, %dma_wait3A_159] : memref<8x128xi32, #tpu.memory_space<vmem>> -> memref<1x128xi32, #tpu.memory_space<vmem>>
    %dma_wait3A_161 = tpu.memref_squeeze %dma_wait3A_160 : memref<1x128xi32, #tpu.memory_space<vmem>> -> memref<128xi32, #tpu.memory_space<vmem>>
    %dma_wait3A_162 = arith.constant 0 : i32
    %dma_wait3A_163 = arith.constant 0 : i32
    %dma_wait3A_164 = tpu.memref_slice %arg3[%dma_wait3A_162, %dma_wait3A_163] : memref<32768x16xf32, #tpu.memory_space<hbm>> -> memref<32768x16xf32, #tpu.memory_space<hbm>>
    tpu.wait_indirect_dma semaphore(%arg11 : memref<!tpu.dma_semaphore, #tpu.memory_space<semaphore_mem>>) src(%dma_wait3A_164 : memref<32768x16xf32, #tpu.memory_space<hbm>>) dst(%dma_wait3A_158 : memref<128x16xf32, #tpu.memory_space<vmem>>)
    %dma_wait3A_165 = arith.constant 0 : i32
    %dma_wait3A_166 = tpu.memref_slice %arg4[%mul3A_2, %dma_wait3A_165] : memref<32768x16xf32, #tpu.memory_space<hbm>> -> memref<1024x16xf32, #tpu.memory_space<hbm>>
    %dma_wait3A_167 = arith.constant 0 : i32
    %dma_wait3A_168 = tpu.memref_slice %arg4[%mul3A_2, %dma_wait3A_167] : memref<32768x16xf32, #tpu.memory_space<hbm>> -> memref<1024x16xf32, #tpu.memory_space<hbm>>
    tpu.wait_dma2 semaphore(%arg12 : memref<!tpu.dma_semaphore, #tpu.memory_space<semaphore_mem>>) src(%dma_wait3A_168 : memref<1024x16xf32, #tpu.memory_space<hbm>>) dst(%arg9 : memref<1024x16xf32, #tpu.memory_space<vmem>>)
    %broadcast_in_dim3A = arith.constant 0.000000e+00 : f32
    %broadcast_in_dim3A_169 = vector.broadcast %broadcast_in_dim3A : f32 to vector<16xf32>
    %scan3A = arith.constant 0 : i32
    %scan3A_170 = arith.constant 1024 : i32
    %scan3A_171 = arith.addi %scan3A, %scan3A_170 : i32
    %scan3A_172 = arith.constant 1 : i32
    %scan3A_173 = scf.for %scan3A_178 = %scan3A to %scan3A_171 step %scan3A_172 iter_args(%scan3A_179 = %broadcast_in_dim3A_169) -> (vector<16xf32>)  : i32 {
      %get3A = arith.index_cast %scan3A_178 : i32 to index
      %get3A_180 = arith.constant 0 : index
      %get3A_181 = tpu.vector_load %arg8[%get3A, %get3A_180] {strides = array<i32>} : memref<1024x16xf32, #tpu.memory_space<vmem>>, vector<1x16xf32>,
      %get3A_182 = vector.shape_cast %get3A_181 : vector<1x16xf32> to vector<16xf32>
      %get3A_183 = arith.index_cast %scan3A_178 : i32 to index
      %get3A_184 = arith.constant 0 : index
      %get3A_185 = tpu.vector_load %arg9[%get3A_183, %get3A_184] {strides = array<i32>} : memref<1024x16xf32, #tpu.memory_space<vmem>>, vector<1x16xf32>,
      %get3A_186 = vector.shape_cast %get3A_185 : vector<1x16xf32> to vector<16xf32>
      %sub3A = arith.subf %get3A_182, %get3A_186 : vector<16xf32>
      %mul3A_187 = arith.mulf %sub3A, %sub3A : vector<16xf32>
      %add3A_188 = arith.addf %scan3A_179, %mul3A_187 : vector<16xf32>
      scf.yield %add3A_188 : vector<16xf32>
    }
    %scan3A_174 = arith.constant 1024 : i32
    %swap3A = arith.constant 0 : index
    %swap3A_175 = tpu.vector_load %arg10[%swap3A] {strides = array<i32>} : memref<16xf32, #tpu.memory_space<vmem>>, vector<16xf32>,
    %swap3A_176 = vector.shape_cast %swap3A_175 : vector<16xf32> to vector<16xf32>
    %swap3A_177 = vector.shape_cast %scan3A_173 : vector<16xf32> to vector<16xf32>
    tpu.vector_store %arg10[%swap3A], %swap3A_177 {strides = array<i32>} : memref<16xf32, #tpu.memory_space<vmem>>, vector<16xf32>,
    "tpu.region"() ({
      %run_scoped3A = tpu.sem_alloc : memref<!tpu.dma_semaphore, #tpu.memory_space<semaphore_mem>>
      %dma_start3A_178 = arith.constant 0 : i32
      %dma_start3A_179 = tpu.memref_slice %arg6[%add3A, %dma_start3A_178] : memref<32x16xf32, #tpu.memory_space<hbm>> -> memref<1x16xf32, #tpu.memory_space<hbm>>
      %dma_start3A_180 = tpu.memref_squeeze %dma_start3A_179 : memref<1x16xf32, #tpu.memory_space<hbm>> -> memref<16xf32, #tpu.memory_space<hbm>>
      %dma_start3A_181 = arith.constant 0 : i32
      %dma_start3A_182 = tpu.memref_slice %arg6[%add3A, %dma_start3A_181] : memref<32x16xf32, #tpu.memory_space<hbm>> -> memref<1x16xf32, #tpu.memory_space<hbm>>
      %dma_start3A_183 = tpu.memref_squeeze %dma_start3A_182 : memref<1x16xf32, #tpu.memory_space<hbm>> -> memref<16xf32, #tpu.memory_space<hbm>>
      tpu.enqueue_dma source(%arg10 : memref<16xf32, #tpu.memory_space<vmem>>) target(%dma_start3A_183 : memref<16xf32, #tpu.memory_space<hbm>>) target_semaphore(%run_scoped3A : memref<!tpu.dma_semaphore, #tpu.memory_space<semaphore_mem>>)
      %dma_wait3A_184 = arith.constant 0 : i32
      %dma_wait3A_185 = tpu.memref_slice %arg6[%add3A, %dma_wait3A_184] : memref<32x16xf32, #tpu.memory_space<hbm>> -> memref<1x16xf32, #tpu.memory_space<hbm>>
      %dma_wait3A_186 = tpu.memref_squeeze %dma_wait3A_185 : memref<1x16xf32, #tpu.memory_space<hbm>> -> memref<16xf32, #tpu.memory_space<hbm>>
      %dma_wait3A_187 = arith.constant 0 : i32
      %dma_wait3A_188 = tpu.memref_slice %arg6[%add3A, %dma_wait3A_187] : memref<32x16xf32, #tpu.memory_space<hbm>> -> memref<1x16xf32, #tpu.memory_space<hbm>>
      %dma_wait3A_189 = tpu.memref_squeeze %dma_wait3A_188 : memref<1x16xf32, #tpu.memory_space<hbm>> -> memref<16xf32, #tpu.memory_space<hbm>>
      tpu.wait_dma2 semaphore(%run_scoped3A : memref<!tpu.dma_semaphore, #tpu.memory_space<semaphore_mem>>) src(%arg10 : memref<16xf32, #tpu.memory_space<vmem>>) dst(%dma_wait3A_189 : memref<16xf32, #tpu.memory_space<hbm>>)
      tpu.yield
    }) : () -> ()
    "tpu.region"() ({
      %run_scoped3A = tpu.sem_alloc : memref<!tpu.dma_semaphore, #tpu.memory_space<semaphore_mem>>
      %dma_start3A_178 = arith.constant 0 : i32
      %dma_start3A_179 = tpu.memref_slice %arg5[%mul3A_2, %dma_start3A_178] : memref<32768x16xf32, #tpu.memory_space<hbm>> -> memref<1024x16xf32, #tpu.memory_space<hbm>>
      %dma_start3A_180 = arith.constant 0 : i32
      %dma_start3A_181 = tpu.memref_slice %arg5[%mul3A_2, %dma_start3A_180] : memref<32768x16xf32, #tpu.memory_space<hbm>> -> memref<1024x16xf32, #tpu.memory_space<hbm>>
      tpu.enqueue_dma source(%arg8 : memref<1024x16xf32, #tpu.memory_space<vmem>>) target(%dma_start3A_181 : memref<1024x16xf32, #tpu.memory_space<hbm>>) target_semaphore(%run_scoped3A : memref<!tpu.dma_semaphore, #tpu.memory_space<semaphore_mem>>)
      %dma_wait3A_182 = arith.constant 0 : i32
      %dma_wait3A_183 = tpu.memref_slice %arg5[%mul3A_2, %dma_wait3A_182] : memref<32768x16xf32, #tpu.memory_space<hbm>> -> memref<1024x16xf32, #tpu.memory_space<hbm>>
      %dma_wait3A_184 = arith.constant 0 : i32
      %dma_wait3A_185 = tpu.memref_slice %arg5[%mul3A_2, %dma_wait3A_184] : memref<32768x16xf32, #tpu.memory_space<hbm>> -> memref<1024x16xf32, #tpu.memory_space<hbm>>
      tpu.wait_dma2 semaphore(%run_scoped3A : memref<!tpu.dma_semaphore, #tpu.memory_space<semaphore_mem>>) src(%arg8 : memref<1024x16xf32, #tpu.memory_space<vmem>>) dst(%dma_wait3A_185 : memref<1024x16xf32, #tpu.memory_space<hbm>>)
      tpu.yield
    }) : () -> ()
    return
  }
}

module attributes {stable_mosaic.version = 14 : i64} {
  func.func @_tc_body(%arg0: i32, %arg1: memref<1024x64xf32, #tpu.memory_space<vmem>>, %arg2: memref<4x16x8192xf32, #tpu.memory_space<vmem>>, %arg3: memref<1x1024x4xi32, #tpu.memory_space<vmem>>) attributes {dimension_semantics = [#tpu.dimension_semantics<arbitrary>], iteration_bounds = array<i64: 8>, scalar_prefetch = 0 : i64, scratch_operands = 0 : i64, tpu.core_type = #tpu.core_type<tc>, window_params = [{transform_indices = @transform_0, window_bounds = array<i64: 1024, 64>}, {pipeline_mode = #tpu.pipeline_mode<synchronous>, transform_indices = @transform_1, window_bounds = array<i64: 4, 16, 8192>}, {transform_indices = @transform_2, window_bounds = array<i64: 1, 1024, 4>}]} {
    %get3A = arith.constant 0 : index
    %get3A_0 = arith.constant 0 : index
    %get3A_1 = vector.load %arg1[%get3A, %get3A_0] : memref<1024x64xf32, #tpu.memory_space<vmem>>, vector<1024x16xf32>
    %get3A_2 = arith.constant 0 : index
    %get3A_3 = arith.constant 0 : index
    %get3A_4 = arith.constant 0 : index
    %get3A_5 = vector.load %arg2[%get3A_2, %get3A_3, %get3A_4] : memref<4x16x8192xf32, #tpu.memory_space<vmem>>, vector<1x16x8192xf32>
    %get3A_6 = vector.shape_cast %get3A_5 : vector<1x16x8192xf32> to vector<16x8192xf32>
    %dot_general3A = arith.constant dense<0.000000e+00> : vector<1024x8192xf32>
    %dot_general3A_7 = tpu.matmul %get3A_1, %get3A_6, %dot_general3A {dimension_numbers = #tpu.dot_dimension_numbers<[1], [0], [0], [1], [0, 0, 1, 1], [], []>, transpose_lhs_hint = false} : vector<1024x16xf32>, vector<16x8192xf32>, vector<1024x8192xf32> -> vector<1024x8192xf32>
    %mul3A = arith.mulf %get3A_6, %get3A_6 : vector<16x8192xf32>
    %reduce_sum3A = arith.constant dense<0.000000e+00> : vector<8192xf32>
    %reduce_sum3A_8 = vector.multi_reduction <add>, %mul3A, %reduce_sum3A [0] : vector<16x8192xf32> to vector<8192xf32>
    %broadcast_in_dim3A = vector.shape_cast %reduce_sum3A_8 : vector<8192xf32> to vector<1x8192xf32>
    %mul3A_9 = arith.constant 5.000000e-01 : f32
    %mul3A_10 = vector.broadcast %mul3A_9 : f32 to vector<1x8192xf32>
    %mul3A_11 = arith.mulf %mul3A_10, %broadcast_in_dim3A : vector<1x8192xf32>
    %sub3A = vector.broadcast %mul3A_11 : vector<1x8192xf32> to vector<1024x8192xf32>
    %sub3A_12 = arith.subf %dot_general3A_7, %sub3A : vector<1024x8192xf32>
    %argmax3A = tpu.reduce_index %sub3A_12 {axis = 1 : i32, kind = #tpu.reduction_kind<arg_max>} : vector<1024x8192xf32> -> vector<1024xi32>
    %add3A = arith.constant 0 : i32
    %add3A_13 = vector.broadcast %add3A : i32 to vector<1024xi32>
    %add3A_14 = arith.addi %argmax3A, %add3A_13 : vector<1024xi32>
    %get3A_15 = arith.constant 0 : index
    %get3A_16 = arith.constant 16 : index
    %get3A_17 = vector.load %arg1[%get3A_15, %get3A_16] : memref<1024x64xf32, #tpu.memory_space<vmem>>, vector<1024x16xf32>
    %get3A_18 = arith.constant 1 : index
    %get3A_19 = arith.constant 0 : index
    %get3A_20 = arith.constant 0 : index
    %get3A_21 = vector.load %arg2[%get3A_18, %get3A_19, %get3A_20] : memref<4x16x8192xf32, #tpu.memory_space<vmem>>, vector<1x16x8192xf32>
    %get3A_22 = vector.shape_cast %get3A_21 : vector<1x16x8192xf32> to vector<16x8192xf32>
    %dot_general3A_23 = arith.constant dense<0.000000e+00> : vector<1024x8192xf32>
    %dot_general3A_24 = tpu.matmul %get3A_17, %get3A_22, %dot_general3A_23 {dimension_numbers = #tpu.dot_dimension_numbers<[1], [0], [0], [1], [0, 0, 1, 1], [], []>, transpose_lhs_hint = false} : vector<1024x16xf32>, vector<16x8192xf32>, vector<1024x8192xf32> -> vector<1024x8192xf32>
    %mul3A_25 = arith.mulf %get3A_22, %get3A_22 : vector<16x8192xf32>
    %reduce_sum3A_26 = arith.constant dense<0.000000e+00> : vector<8192xf32>
    %reduce_sum3A_27 = vector.multi_reduction <add>, %mul3A_25, %reduce_sum3A_26 [0] : vector<16x8192xf32> to vector<8192xf32>
    %broadcast_in_dim3A_28 = vector.shape_cast %reduce_sum3A_27 : vector<8192xf32> to vector<1x8192xf32>
    %mul3A_29 = arith.constant 5.000000e-01 : f32
    %mul3A_30 = vector.broadcast %mul3A_29 : f32 to vector<1x8192xf32>
    %mul3A_31 = arith.mulf %mul3A_30, %broadcast_in_dim3A_28 : vector<1x8192xf32>
    %sub3A_32 = vector.broadcast %mul3A_31 : vector<1x8192xf32> to vector<1024x8192xf32>
    %sub3A_33 = arith.subf %dot_general3A_24, %sub3A_32 : vector<1024x8192xf32>
    %argmax3A_34 = tpu.reduce_index %sub3A_33 {axis = 1 : i32, kind = #tpu.reduction_kind<arg_max>} : vector<1024x8192xf32> -> vector<1024xi32>
    %add3A_35 = arith.constant 8192 : i32
    %add3A_36 = vector.broadcast %add3A_35 : i32 to vector<1024xi32>
    %add3A_37 = arith.addi %argmax3A_34, %add3A_36 : vector<1024xi32>
    %get3A_38 = arith.constant 0 : index
    %get3A_39 = arith.constant 32 : index
    %get3A_40 = vector.load %arg1[%get3A_38, %get3A_39] : memref<1024x64xf32, #tpu.memory_space<vmem>>, vector<1024x16xf32>
    %get3A_41 = arith.constant 2 : index
    %get3A_42 = arith.constant 0 : index
    %get3A_43 = arith.constant 0 : index
    %get3A_44 = vector.load %arg2[%get3A_41, %get3A_42, %get3A_43] : memref<4x16x8192xf32, #tpu.memory_space<vmem>>, vector<1x16x8192xf32>
    %get3A_45 = vector.shape_cast %get3A_44 : vector<1x16x8192xf32> to vector<16x8192xf32>
    %dot_general3A_46 = arith.constant dense<0.000000e+00> : vector<1024x8192xf32>
    %dot_general3A_47 = tpu.matmul %get3A_40, %get3A_45, %dot_general3A_46 {dimension_numbers = #tpu.dot_dimension_numbers<[1], [0], [0], [1], [0, 0, 1, 1], [], []>, transpose_lhs_hint = false} : vector<1024x16xf32>, vector<16x8192xf32>, vector<1024x8192xf32> -> vector<1024x8192xf32>
    %mul3A_48 = arith.mulf %get3A_45, %get3A_45 : vector<16x8192xf32>
    %reduce_sum3A_49 = arith.constant dense<0.000000e+00> : vector<8192xf32>
    %reduce_sum3A_50 = vector.multi_reduction <add>, %mul3A_48, %reduce_sum3A_49 [0] : vector<16x8192xf32> to vector<8192xf32>
    %broadcast_in_dim3A_51 = vector.shape_cast %reduce_sum3A_50 : vector<8192xf32> to vector<1x8192xf32>
    %mul3A_52 = arith.constant 5.000000e-01 : f32
    %mul3A_53 = vector.broadcast %mul3A_52 : f32 to vector<1x8192xf32>
    %mul3A_54 = arith.mulf %mul3A_53, %broadcast_in_dim3A_51 : vector<1x8192xf32>
    %sub3A_55 = vector.broadcast %mul3A_54 : vector<1x8192xf32> to vector<1024x8192xf32>
    %sub3A_56 = arith.subf %dot_general3A_47, %sub3A_55 : vector<1024x8192xf32>
    %argmax3A_57 = tpu.reduce_index %sub3A_56 {axis = 1 : i32, kind = #tpu.reduction_kind<arg_max>} : vector<1024x8192xf32> -> vector<1024xi32>
    %add3A_58 = arith.constant 16384 : i32
    %add3A_59 = vector.broadcast %add3A_58 : i32 to vector<1024xi32>
    %add3A_60 = arith.addi %argmax3A_57, %add3A_59 : vector<1024xi32>
    %get3A_61 = arith.constant 0 : index
    %get3A_62 = arith.constant 48 : index
    %get3A_63 = vector.load %arg1[%get3A_61, %get3A_62] : memref<1024x64xf32, #tpu.memory_space<vmem>>, vector<1024x16xf32>
    %get3A_64 = arith.constant 3 : index
    %get3A_65 = arith.constant 0 : index
    %get3A_66 = arith.constant 0 : index
    %get3A_67 = vector.load %arg2[%get3A_64, %get3A_65, %get3A_66] : memref<4x16x8192xf32, #tpu.memory_space<vmem>>, vector<1x16x8192xf32>
    %get3A_68 = vector.shape_cast %get3A_67 : vector<1x16x8192xf32> to vector<16x8192xf32>
    %dot_general3A_69 = arith.constant dense<0.000000e+00> : vector<1024x8192xf32>
    %dot_general3A_70 = tpu.matmul %get3A_63, %get3A_68, %dot_general3A_69 {dimension_numbers = #tpu.dot_dimension_numbers<[1], [0], [0], [1], [0, 0, 1, 1], [], []>, transpose_lhs_hint = false} : vector<1024x16xf32>, vector<16x8192xf32>, vector<1024x8192xf32> -> vector<1024x8192xf32>
    %mul3A_71 = arith.mulf %get3A_68, %get3A_68 : vector<16x8192xf32>
    %reduce_sum3A_72 = arith.constant dense<0.000000e+00> : vector<8192xf32>
    %reduce_sum3A_73 = vector.multi_reduction <add>, %mul3A_71, %reduce_sum3A_72 [0] : vector<16x8192xf32> to vector<8192xf32>
    %broadcast_in_dim3A_74 = vector.shape_cast %reduce_sum3A_73 : vector<8192xf32> to vector<1x8192xf32>
    %mul3A_75 = arith.constant 5.000000e-01 : f32
    %mul3A_76 = vector.broadcast %mul3A_75 : f32 to vector<1x8192xf32>
    %mul3A_77 = arith.mulf %mul3A_76, %broadcast_in_dim3A_74 : vector<1x8192xf32>
    %sub3A_78 = vector.broadcast %mul3A_77 : vector<1x8192xf32> to vector<1024x8192xf32>
    %sub3A_79 = arith.subf %dot_general3A_70, %sub3A_78 : vector<1024x8192xf32>
    %argmax3A_80 = tpu.reduce_index %sub3A_79 {axis = 1 : i32, kind = #tpu.reduction_kind<arg_max>} : vector<1024x8192xf32> -> vector<1024xi32>
    %add3A_81 = arith.constant 24576 : i32
    %add3A_82 = vector.broadcast %add3A_81 : i32 to vector<1024xi32>
    %add3A_83 = arith.addi %argmax3A_80, %add3A_82 : vector<1024xi32>
    %stack3A = vector.shape_cast %add3A_14 : vector<1024xi32> to vector<1024x1xi32>
    %stack3A_84 = vector.shape_cast %add3A_37 : vector<1024xi32> to vector<1024x1xi32>
    %stack3A_85 = vector.shape_cast %add3A_60 : vector<1024xi32> to vector<1024x1xi32>
    %stack3A_86 = vector.shape_cast %add3A_83 : vector<1024xi32> to vector<1024x1xi32>
    %stack3A_87 = tpu.concatenate %stack3A, %stack3A_84, %stack3A_85, %stack3A_86 in 1 : vector<1024x1xi32>, vector<1024x1xi32>, vector<1024x1xi32>, vector<1024x1xi32> -> vector<1024x4xi32>
    %swap3A = arith.constant 0 : index
    %swap3A_88 = arith.constant 0 : index
    %swap3A_89 = arith.constant 0 : index
    %swap3A_90 = vector.load %arg3[%swap3A, %swap3A_88, %swap3A_89] : memref<1x1024x4xi32, #tpu.memory_space<vmem>>, vector<1x1024x4xi32>
    %swap3A_91 = vector.shape_cast %swap3A_90 : vector<1x1024x4xi32> to vector<1024x4xi32>
    %swap3A_92 = vector.shape_cast %stack3A_87 : vector<1024x4xi32> to vector<1x1024x4xi32>
    tpu.vector_store %arg3[%swap3A, %swap3A_88, %swap3A_89], %swap3A_92 {strides = array<i32>} : memref<1x1024x4xi32, #tpu.memory_space<vmem>>, vector<1x1024x4xi32>,
    return
  }
  func.func @transform_0(%arg0: i32) -> (i32, i32) {
    %c0_i32 = arith.constant 0 : i32
    %c0_i32_0 = arith.constant 0 : i32
    return %arg0, %c0_i32 : i32, i32
  }
  func.func @transform_1(%arg0: i32) -> (i32, i32, i32) {
    %c0_i32 = arith.constant 0 : i32
    %c0_i32_0 = arith.constant 0 : i32
    %c0_i32_1 = arith.constant 0 : i32
    %c0_i32_2 = arith.constant 0 : i32
    return %c0_i32, %c0_i32_0, %c0_i32_1 : i32, i32, i32
  }
  func.func @transform_2(%arg0: i32) -> (i32, i32, i32) {
    %c0_i32 = arith.constant 0 : i32
    %c0_i32_0 = arith.constant 0 : i32
    %c0_i32_1 = arith.constant 0 : i32
    return %arg0, %c0_i32, %c0_i32_0 : i32, i32, i32
  }
}

</mosaic_0001>

<sc_bundles>
// kernel: kernel.4.cloned.1.call-start
scs
__scs_entry_jumppad:
0x0: {  	(pc) =	sbr.rel $0x88, $3  }
0x1: {  	(tag) =	ssettag $0x0;
	lr =	simm.s32 $0x1  }
0x2: {  	[smem:$0x3F9F] =	sst lr;
	_ =	strace $0xD0000000  }
0x3: {  	_ = 	snop  }
0x4: {  	_ = 	snop  }
0x5: {  	_ = 	snop  }
0x6: {  	_ = 	snop  }
0x7: {  	_ = 	snop  }
__scs_overlays_trampoline_lowered:
0x8: {  	[smem:$0x3FAE] =	sst s0  }
0x9: {  	[smem:$0x3FAF] =	sst s1  }
0xa: {  	[smem:$0x3FB0] =	sst s2  }
0xb: {  	[smem:$0x3FB1] =	sst s3  }
0xc: {  	[smem:$0x3FB2] =	sst s4  }
0xd: {  	[smem:$0x3FB3] =	sst s5  }
0xe: {  	[smem:$0x3FB4] =	sst s6  }
0xf: {  	[smem:$0x3FB5] =	sst s7  }
0x10: {  	[smem:$0x3FB6] =	sst s8  }
0x11: {  	[smem:$0x3FB7] =	sst s9;
	s0 =	simm.s32 @!p0 $0x0  }
0x12: {  	s1 =	sld [smem:$0x3F9D];
	s0 =	simm.s32 @p0 $0x1  }
0x13: {  	[smem:$0x3FB8] =	sst s0;
	s0 =	simm.s32 @!p1 $0x0  }
0x14: {  	s2 =	sld [smem:$0x3F9C];
	s0 =	simm.s32 @p1 $0x1  }
0x15: {  	[smem:$0x3FB9] =	sst s0;
	s0 =	simm.s32 @!p2 $0x0  }
0x16: {  	s3 =	sld [smem:$0x3FDB];
	s0 =	simm.s32 @p2 $0x1  }
0x17: {  	s4 =	simm.s32 $0x1BF5;
	[smem:$0x3FBB] =	sst s0  }
0x18: {  	s0 =	sld [smem:$0x3F9E];
	_ =	swait.ge [sflag:s4], $0x0  }
0x19: {  	s7 =	sld [smem:$0x3F9F]  }
0x1a: {  	s8 =	sadd.s32 $0xFFFFE003, lr  }
0x1b: {  	s9 =	sadd.s32 $0xFFFFFEF7, lr;
	s5 =	simm.s32 $0xFFFFFFFF;
	p2 =	slt.u32 s8, $0xFFFFF086  }
0x1c: {  	p1 =	slt.u32 s9, $0xF7A;
	s5 =	simm.s32 @!p2 $0x0  }
0x1d: {  	s5 =	simm.s32 @p1 $0x1;
	p0 =	seq.s32 s7, s2  }
0x1e: {  	s7 =	smul.u32 @!p0 $0xF7A, s2;
	p2 =	seq.s32 @!p0 s5, $0x0  }
0x1f: {  	s9 =	smul.u32 $0xF7A, s1;
	s8 =	simm.s32 @!p0 $0x1BF5;
	p2 =	por !p2, p0  }
0x20: {  	[sflag:s8] =	ssyncset.s32 @!p0 $0xFFFFF086;
	s6 =	sadd.s32 @!p0 s3, s7;
	s7 =	simm.s32 @!p0 $0x108  }
0x21: {  	s3 =	sadd.s32 s3, s9;
	s6 =	sadd.s32 @!p0 $0x88, s6;
	s7 =	simm.s32 @p2 $0x1082  }
0x22: {  	[simem:s7], [sflag:s8] =	dma.local @!p0 [hbm:s6], $0xF7A  }
0x23: {  	s9 =	sor.u32 $0xD0000000, s2;
	s6 =	simm.s32 $0x108;
	_ =	swait.ge @!p0 [sflag:s8], $0x0  }
0x24: {  	s3 =	sadd.s32 $0x88, s3;
	s6 =	simm.s32 @!p1 $0x1082;
	[sflag:s4] =	ssyncset.s32 $0xFFFFF086  }
0x25: {  	[simem:s6], [sflag:s4] =	dma.local [hbm:s3], $0xF7A  }
0x26: {  	[smem:$0x3F9F] =	sst s1;
	(tag) =	ssettag s2;
	_ =	strace s9  }
0x27: {  	s1 =	sld [smem:$0x3FAF]  }
0x28: {  	s2 =	sld [smem:$0x3FB0]  }
0x29: {  	s4 =	sld [smem:$0x3FB2]  }
0x2a: {  	p0 =	seq.s32 s5, $0x0;
	s5 =	sld [smem:$0x3FB3]  }
0x2b: {  	s6 =	sld [smem:$0x3FB4]  }
0x2c: {  	s7 =	sld [smem:$0x3FB5]  }
0x2d: {  	s3 =	simm.s32 $0x108;
	s8 =	sld [smem:$0x3FB6]  }
0x2e: {  	s3 =	simm.s32 @!p0 $0x1082;
	s9 =	sld [smem:$0x3FB7]  }
0x2f: {  	lr =	sadd.s32 s0, s3;
	s0 =	sld [smem:$0x3FAE]  }
0x30: {  	s3 =	sld [smem:$0x3FB1]  }
0x31: {  	[smem:$0x3FBA] =	sst s10  }
0x32: {  	s10 =	sld [smem:$0x3FB8];
	_ =	sdelay $0x3  }
0x33: {  	p0 =	seq.s32 s10, $0x1;
	s10 =	sld [smem:$0x3FBA];
	_ =	sdelay $0x3  }
0x34: {  	[smem:$0x3FBA] =	sst s10  }
0x35: {  	s10 =	sld [smem:$0x3FB9];
	_ =	sdelay $0x3  }
0x36: {  	p1 =	seq.s32 s10, $0x1;
	s10 =	sld [smem:$0x3FBA];
	_ =	sdelay $0x3  }
0x37: {  	[smem:$0x3FBA] =	sst s10  }
0x38: {  	s10 =	sld [smem:$0x3FBB]  }
0x39: {  	_ = 	snop;
	(pc) =	sbr.ind lr, $3  }
0x3a: {  	_ = 	snop  }
0x3b: {  	_ = 	snop  }
0x3c: {  	p2 =	seq.s32 s10, $0x1;
	s10 =	sld [smem:$0x3FBA]  }
0x3d: {  	_ =	shalt  }
0x3e: {  	_ =	shalt  }
0x3f: {  	_ =	shalt  }
0x40: {  	_ =	shalt  }
0x41: {  	_ =	shalt  }
0x42: {  	_ =	shalt  }
0x43: {  	_ =	shalt  }
0x44: {  	_ =	shalt  }
0x45: {  	_ =	shalt  }
0x46: {  	_ =	shalt  }
0x47: {  	_ =	shalt  }
0x48: {  	_ =	shalt  }
0x49: {  	_ =	shalt  }
0x4a: {  	_ =	shalt  }
0x4b: {  	_ =	shalt  }
0x4c: {  	_ =	shalt  }
0x4d: {  	_ =	shalt  }
0x4e: {  	_ =	shalt  }
0x4f: {  	_ =	shalt  }
0x50: {  	_ =	shalt  }
0x51: {  	_ =	shalt  }
0x52: {  	_ =	shalt  }
0x53: {  	_ =	shalt  }
0x54: {  	_ =	shalt  }
0x55: {  	_ =	shalt  }
0x56: {  	_ =	shalt  }
0x57: {  	_ =	shalt  }
0x58: {  	_ =	shalt  }
0x59: {  	_ =	shalt  }
0x5a: {  	_ =	shalt  }
0x5b: {  	_ =	shalt  }
0x5c: {  	_ =	shalt  }
0x5d: {  	_ =	shalt  }
0x5e: {  	_ =	shalt  }
0x5f: {  	_ =	shalt  }
0x60: {  	_ =	shalt  }
0x61: {  	_ =	shalt  }
0x62: {  	_ =	shalt  }
0x63: {  	_ =	shalt  }
0x64: {  	_ =	shalt  }
0x65: {  	_ =	shalt  }
0x66: {  	_ =	shalt  }
0x67: {  	_ =	shalt  }
0x68: {  	_ =	shalt  }
0x69: {  	_ =	shalt  }
0x6a: {  	_ =	shalt  }
0x6b: {  	_ =	shalt  }
0x6c: {  	_ =	shalt  }
0x6d: {  	_ =	shalt  }
0x6e: {  	_ =	shalt  }
0x6f: {  	_ =	shalt  }
0x70: {  	_ =	shalt  }
0x71: {  	_ =	shalt  }
0x72: {  	_ =	shalt  }
0x73: {  	_ =	shalt  }
0x74: {  	_ =	shalt  }
0x75: {  	_ =	shalt  }
0x76: {  	_ =	shalt  }
0x77: {  	_ =	shalt  }
0x78: {  	_ =	shalt  }
0x79: {  	_ =	shalt  }
0x7a: {  	_ =	shalt  }
0x7b: {  	_ =	shalt  }
0x7c: {  	_ =	shalt  }
0x7d: {  	_ =	shalt  }
0x7e: {  	_ =	shalt  }
0x7f: {  	_ =	shalt  }
0x80: {  	_ =	shalt  }
0x81: {  	_ =	shalt  }
0x82: {  	_ =	shalt  }
0x83: {  	_ =	shalt  }
0x84: {  	_ =	shalt  }
0x85: {  	_ =	shalt  }
0x86: {  	_ =	shalt  }
0x87: {  	_ =	shalt  }
.Lfunc_end0:
.L_simem_size_0:
called_computation_lowered:
.L_overlay_start_0:
0x88: {  	s2 =	sld [smem:$0x3FD9]  }
0x89: {  	s3 =	sld [smem:$0x3FFE];
	_ =	sdelay $0x1  }
0x8a: {  	s1 =	srdreg.scid  }
0x8b: {  	s0 =	sand.u32 $0x1, s1  }
0x8c: {  	s14 =	sshll.u32 s0, $0xA;
	s2 =	sadd.s32 s3, s2  }
0x8d: {  	s2 =	sadd.s32 s2, s14  }
0x8e: {  	[smem:$0x3FC6] =	sst s2  }
0x8f: {  	_ = 	snop  }
0x90: {  	s2 =	sld [smem:$0x3FD0];
	_ =	sdelay $0x2  }
0x91: {  	s15 =	simm.s32 $0xA;
	s4 =	simm.s32 $0x10  }
0x92: {  	[smem:s4], [sflag:s15] =	dma.local [hbm:s2], $0x1  }
0x93: {  	_ =	swait.eq [sflag:s15], $0x1  }
0x94: {  	[sflag:s15] =	ssyncset.done $0x0  }
0x95: {  	[sflag:s15] =	ssyncadd.s32 $0xFFFFFFFF  }
0x96: {  	s16 =	sld [smem:$0x11];
	(tm) =	ssettm $0x1  }
0x97: {  	s17 =	sld [smem:$0x3FFB];
	_ =	sdelay $0x3  }
0x98: {  	_ =	strace s17  }
0x99: {  	s3 =	sld [smem:$0x3FFC];
	_ =	sdelay $0x3  }
0x9a: {  	_ =	strace s3  }
0x9b: {  	s3 =	sld [smem:$0x3FFD];
	_ =	sdelay $0x3  }
0x9c: {  	_ =	strace s3  }
0x9d: {  	_ =	strace $0x8FFFFFFF  }
0x9e: {  	s18 =	sld [smem:$0x3FDB];
	_ =	sdelay $0x1  }
0x9f: {  	s19 =	simm.s32 $_scs_section_size  }
0xa0: {  	s5 =	simm.s32 $_size__tile_overlayer_lowered;
	s6 =	simm.s32 $_tile_overlayer_lowered  }
0xa1: {  	s22 =	simm.s32 $0x1BFF;
	s21 =	sshll.u32 s6, $0x1;
	s3 =	sadd.s32 s19, s18  }
0xa2: {  	s7 =	simm.s32 $0x0;
	s20 =	sshll.u32 s5, $0x1;
	s5 =	sadd.s32 s21, s3  }
0xa3: {  	[timem:s7], [sflag:s22] =	dma.local [hbm:s5], s20  }
0xa4: {  	_ =	swait.ge [sflag:s22], s20  }
0xa5: {  	s4 =	ssub.s32 $0x0, s20;
	[sflag:s22] =	ssyncset.done $0x0  }
0xa6: {  	[sflag:s22] =	ssyncadd.s32 s4;
	_ =	sdelay $0x1  }
0xa7: {  	s23 =	simm.s32 $0x1B8B  }
0xa8: {  	_ =	swait.ge [sflag:s23], $0x1  }
0xa9: {  	[sflag:s23] =	ssyncset.done $0x0  }
0xaa: {  	s25 =	simm.s32 $0x1B8E;
	s24 =	sld [smem:$0x3FFE];
	[sflag:s23] =	ssyncadd.s32 $0xFFFFFFFF  }
0xab: {  	s26 =	simm.s32 $execute0_lowered;
	[smem:$0x3FD2] =	sst s25  }
0xac: {  	s5 =	sshll.u32 s26, $0x1;
	_ =	strace $0x80000046;
	[dreg:$0x1] =	wrdreg $0xFFFFFFFF  }
0xad: {  	s28 =	simm.s32 $_size_execute0_lowered;
	s3 =	sadd.s32 s3, s5;
	[dreg:$0x0] =	wrdreg $0x0  }
0xae: {  	s5 =	sshll.u32 s28, $0x1;
	[dreg:$0x2] =	wrdreg s3  }
0xaf: {  	[dreg:$0x3] =	wrdreg s5  }
0xb0: {  	[dreg:$0x4] =	wrdreg $0xC0  }
0xb1: {  	_ =	task [dreg:s7], $0x5FFFF  }
0xb2: {  	[dreg:$0x1] =	wrdreg $0xFFFFFFFF  }
0xb3: {  	[dreg:$0x0] =	wrdreg $0x60  }
0xb4: {  	[dreg:$0x2] =	wrdreg s24  }
0xb5: {  	[dreg:$0x3] =	wrdreg s16  }
0xb6: {  	[dreg:$0x4] =	wrdreg $0x9  }
0xb7: {  	_ =	task.clear_ibuf [dreg:s7], $0x5FFFF;
	_ =	strace $0x90000046  }
0xb8: {  	s29 =	simm.s32 $0x9;
	_ =	strace $0x80000048  }
0xb9: {  	_ =	swait.ge [sflag:s29], $0x1  }
0xba: {  	[sflag:s29] =	ssyncadd.s32 $0xFFFFFFFF  }
0xbb: {  	_ =	strace $0x90000048  }
0xbc: {  	_ =	sfence  }
0xbd: {  	s30 =	sld [smem:$0x0];
	_ =	sdelay $0x2  }
0xbe: {  	s31 =	sshll.u32 s1, $0xD;
	s1 =	sshrl.u32 s1, $0x2  }
0xbf: {  	s3 =	sand.u32 $0x4000, s31;
	s1 =	sadd.s32 s1, s30  }
0xc0: {  	s0 =	sor.u32 s3, s0;
	s1 =	sshll.u32 s1, $0x11  }
0xc1: {  	s0 =	sor.u32 s1, s0  }
0xc2: {  	s0 =	sadd.s32 $0x8F2B, s0  }
0xc3: {  	[sflag:s0] =	ssyncadd.remote.s32 $0x1  }
0xc4: {  	_ =	sfence.sel $0xFFFF  }
0xc5: {  	[dreg:$0x0] =	wrdreg $0xFFFFFFFF;
	(pc) =	sbr.abs _section_cstart, $3  }
0xc6: {  	[dreg:$0x1] =	wrdreg $0xFFFFFFFF  }
0xc7: {  	_ =	task.clear_ibuf [dreg:s7], $0x2FFFF;
	_ =	strace $0x9FFFFFFF  }
0xc8: {  	(tm) =	ssettm $0x7FFFFFFF  }
0xc9: {  	_ =	shalt  }
tec
execute0_lowered:
.L_overlay_start_1:
0x0: {  	(tag) =	ssettag $0x1  }
0x1: {  	s4 =	rddreg [dreg:$0x0]  }
0x2: {  	s1 =	srdreg.scid;
	s0 =	stileid.u32  }
0x3: {  	s2 =	rddreg [dreg:$0x1];
	s3 =	simm.s32 $0x0;
	s10 =	simm.s32 $0x4400  }
0x4: {  	s11 =	simm.s32 $0x80;
	s12 =	simm.s32 $0x400;
	s13 =	simm.s32 $0xC00  }
0x5: {  	s14 =	simm.s32 $0x100;
	s15 =	simm.s32 $0x1400;
	s16 =	simm.s32 $0x180  }
0x6: {  	s17 =	simm.s32 $0x1C00;
	s18 =	simm.s32 $0x200;
	s19 =	simm.s32 $0x2400  }
0x7: {  	s20 =	simm.s32 $0x280;
	s21 =	simm.s32 $0x2C00;
	s22 =	simm.s32 $0x300  }
0x8: {  	s23 =	simm.s32 $0x3400;
	s24 =	simm.s32 $0x380;
	s25 =	simm.s32 $0x3C00  }
0x9: {  	s26 =	simm.s32 $0x1;
	s28 =	simm.s32 $0x2;
	s29 =	simm.s32 $0x8400  }
0xa: {  	s5 =	sand.u32 $0x1, s1;
	s6 =	sshll.u32 s0, $0x1;
	[smem:$0x7FF] =	sst s3  }
0xb: {  	s30 =	simm.s32 $0x0;
	s6 =	sor.u32 s5, s6;
	_ =	strace $0x80000047  }
0xc: {  	s5 =	ssub.s32 $0x2, s5;
	s7 =	sshll.u32 s6, $0x7;
	s8 =	sshll.u32 s6, $0xB  }
0xd: {  	s6 =	sshll.u32 s6, $0x1;
	s31 =	sshrl.u32 s5, $0x1;
	s7 =	sadd.s32 s7, s4  }
0xe: {  	s8 =	sadd.s32 s8, s4;
	s6 =	sadd.s32 s6, s4;
	s9 =	ssub.s32 s5, s31  }
0xf: {  	s4 =	sadd.s32 $0x10600, s7;
	s5 =	sadd.s32 $0x600, s8;
	s6 =	sadd.s32 $0x11600, s6  }
0x10: {  	s7 =	sadd.s32 $0x11800, s8;
	s8 =	smax.u32 s9, $0x1;
	s9 =	simm.s32 $0x3  }
.LBB2_1:
0x11: {  	[tilespmem:s3], [sflag:$0x3] =	stream.linear.gather [hbm4b:s4+s3], $0x400, $0x38;
	[tilespmem:$0x8410] =	vst v63  }
0x12: {  	_ =	swait.ge [sflag:s9], $0x400  }
0x13: {  	[sflag:s9] =	ssyncset.done $0x0  }
0x14: {  	[sflag:s9] =	ssyncadd.s32 $0xFFFFFC00  }
0x15: {  	[tilespmem:s10], [sflag:$0x2] =	stream.linear.gather [hbm4b:s5+s3], $0x4000, $0x38;
	[tilespmem:$0x8410] =	vst v63  }
0x16: {  	_ = 	snop  }
0x17: {  	[tilespmem:s12], [sflag:$0x1] =	stream.indirect.gather [hbm4b:s2+s11], $0x10, s3, s11, $0xb8;
	[tilespmem:$0x8410] =	vst v63  }
0x18: {  	_ = 	snop  }
0x19: {  	[tilespmem:s13], [sflag:$0x1] =	stream.indirect.gather [hbm4b:s2+s11], $0x10, s11, s11, $0xb8;
	[tilespmem:$0x8410] =	vst v63  }
0x1a: {  	_ = 	snop  }
0x1b: {  	[tilespmem:s15], [sflag:$0x1] =	stream.indirect.gather [hbm4b:s2+s11], $0x10, s14, s11, $0xb8;
	[tilespmem:$0x8410] =	vst v63  }
0x1c: {  	_ = 	snop  }
0x1d: {  	[tilespmem:s17], [sflag:$0x1] =	stream.indirect.gather [hbm4b:s2+s11], $0x10, s16, s11, $0xb8;
	[tilespmem:$0x8410] =	vst v63  }
0x1e: {  	_ = 	snop  }
0x1f: {  	[tilespmem:s19], [sflag:$0x1] =	stream.indirect.gather [hbm4b:s2+s11], $0x10, s18, s11, $0xb8;
	[tilespmem:$0x8410] =	vst v63  }
0x20: {  	_ = 	snop  }
0x21: {  	[tilespmem:s21], [sflag:$0x1] =	stream.indirect.gather [hbm4b:s2+s11], $0x10, s20, s11, $0xb8;
	[tilespmem:$0x8410] =	vst v63  }
0x22: {  	_ = 	snop  }
0x23: {  	[tilespmem:s23], [sflag:$0x1] =	stream.indirect.gather [hbm4b:s2+s11], $0x10, s22, s11, $0xb8;
	[tilespmem:$0x8410] =	vst v63  }
0x24: {  	_ = 	snop  }
0x25: {  	[tilespmem:s25], [sflag:$0x1] =	stream.indirect.gather [hbm4b:s2+s11], $0x10, s24, s11, $0xb8;
	[tilespmem:$0x8410] =	vst v63  }
0x26: {  	_ =	swait.ge [sflag:s26], $0x800  }
0x27: {  	[sflag:s26] =	ssyncset.done $0x0  }
0x28: {  	[sflag:s26] =	ssyncadd.s32 $0xFFFFF800  }
0x29: {  	_ =	swait.ge [sflag:s26], $0x800  }
0x2a: {  	[sflag:s26] =	ssyncset.done $0x0  }
0x2b: {  	[sflag:s26] =	ssyncadd.s32 $0xFFFFF800  }
0x2c: {  	_ =	swait.ge [sflag:s26], $0x800  }
0x2d: {  	[sflag:s26] =	ssyncset.done $0x0  }
0x2e: {  	[sflag:s26] =	ssyncadd.s32 $0xFFFFF800  }
0x2f: {  	_ =	swait.ge [sflag:s26], $0x800  }
0x30: {  	[sflag:s26] =	ssyncset.done $0x0  }
0x31: {  	[sflag:s26] =	ssyncadd.s32 $0xFFFFF800  }
0x32: {  	_ =	swait.ge [sflag:s26], $0x800  }
0x33: {  	[sflag:s26] =	ssyncset.done $0x0  }
0x34: {  	[sflag:s26] =	ssyncadd.s32 $0xFFFFF800  }
0x35: {  	_ =	swait.ge [sflag:s26], $0x800  }
0x36: {  	[sflag:s26] =	ssyncset.done $0x0  }
0x37: {  	[sflag:s26] =	ssyncadd.s32 $0xFFFFF800  }
0x38: {  	_ =	swait.ge [sflag:s26], $0x800  }
0x39: {  	[sflag:s26] =	ssyncset.done $0x0  }
0x3a: {  	[sflag:s26] =	ssyncadd.s32 $0xFFFFF800  }
0x3b: {  	_ =	swait.ge [sflag:s26], $0x800  }
0x3c: {  	[sflag:s26] =	ssyncset.done $0x0  }
0x3d: {  	[sflag:s26] =	ssyncadd.s32 $0xFFFFF800  }
0x3e: {  	_ =	swait.ge [sflag:s28], $0x4000  }
0x3f: {  	[sflag:s28] =	ssyncset.done $0x0  }
0x40: {  	s1 =	simm.s32 $0x0;
	[sflag:s28] =	ssyncadd.s32 $0xFFFFC000  }
0x41: {  	v1 =	vld [tilespmem:s1+$0x400]  }
0x42: {  	v2 =	vld [tilespmem:s1+$0x4400];
	_ =	sdelay $0x2  }
0x43: {  	v0 =	vimm.f32 $0.0e+00;
	s31 =	simm.s32 $0x40  }
.LBB2_2:
0x44: {  	s1 =	sshra.s32 s31, $0x2;
	p0 =	sne.s32 s31, $0xFFC0  }
.Ltmp0:
0x45: {  	s31 =	sadd.s32 $0x40, s31;
	v3 =	vsub.f32 v1, v2;
	v1 =	vld [tilespmem:s1+$0x400];
	(pc) =	sbr.rel @p0 .LBB2_2-.Ltmp0, $3  }
0x46: {  	v2 =	vld [tilespmem:s1+$0x4400]  }
0x47: {  	v3 =	vmul.f32 v3, v3;
	_ =	sdelay $0x1  }
0x48: {  	v0 =	vadd.f32 v3, v0  }
0x49: {  	_ = 	snop  }
0x4a: {  	v1 =	vsub.f32 v1, v2;
	_ =	sdelay $0x1  }
0x4b: {  	v1 =	vmul.f32 v1, v1;
	_ =	sdelay $0x1  }
0x4c: {  	v0 =	vadd.f32 v1, v0;
	_ =	sdelay $0x1  }
0x4d: {  	[tilespmem:$0x8400] =	vst v0  }
0x4e: {  	[hbm4b:s6+s3] =	stream.linear.scatter [tilespmem:s29], [sflag:$0x3], $0x10, $0x38;
	[tilespmem:$0x8410] =	vst v63  }
0x4f: {  	s30 =	sadd.s32 $0x1, s30;
	_ =	swait.ge [sflag:s9], $0x10  }
0x50: {  	p0 =	sne.s32 s30, s8;
	[sflag:s9] =	ssyncset.done $0x0  }
.Ltmp1:
0x51: {  	[sflag:s9] =	ssyncadd.s32 $0xFFFFFFF0;
	(pc) =	sbr.rel @p0 .LBB2_1-.Ltmp1, $4  }
0x52: {  	[hbm4b:s7+s3] =	stream.linear.scatter [tilespmem:s12], [sflag:$0x3], $0x4000, $0x38;
	[tilespmem:$0x8410] =	vst v63  }
0x53: {  	_ =	swait.ge [sflag:s9], $0x4000  }
0x54: {  	[sflag:s9] =	ssyncset.done $0x0  }
0x55: {  	[sflag:s9] =	ssyncadd.s32 $0xFFFFC000  }
0x56: {  	_ =	sfence.sel $0x180000  }
0x57: {  	[bflag:$0x0] =	sbarrier.arrive $0xFFFF  }
0x58: {  	_ =	strace $0x90000047  }
0x59: {  	[bflag:$0x2] =	sbarrier.arrive $0xFFFF  }
0x5a: {  	p0 =	sne.s32 s0, $0x0;
	s0 =	rddreg [dreg:$0x2]  }
0x5b: {  	s0 =	sadd.s32 @!p0 $0x100000, s0  }
0x5c: {  	[sflag:s0] =	ssyncadd.tile.s32 @!p0 $0x1;
	_ =	shalt  }
.Lfunc_end2:
_tile_overlayer_lowered:
.L_overlay_start_2:
0x5d: {  	(tag) =	ssettag $0x2  }
0x5e: {  	s0 =	rddreg [dreg:$0x0];
	s2 =	stileid.u32  }
0x5f: {  	s1 =	rddreg [dreg:$0x1];
	p0 =	sne.s32 s2, $0x0  }
0x60: {  	s3 =	rddreg [dreg:$0x2];
	[bflag:$0x3] =	sbarrier.arrive $0xFFFF;
	s2 =	simm.s32 @!p0 $0x1C03  }
0x61: {  	[timem:s3], [sflag:s2] =	dma.local @!p0 [hbm:s0], s1  }
0x62: {  	s0 =	simm.s32 @!p0 $0x3  }
0x63: {  	_ =	swait.ge @!p0 [sflag:s0], s1  }
0x64: {  	s1 =	ssub.s32 @!p0 $0x0, s1;
	[sflag:s0] =	ssyncset.done @!p0 $0x0  }
0x65: {  	[sflag:s0] =	ssyncadd.s32 @!p0 s1  }
0x66: {  	[bflag:$0x3] =	sbarrier.arrive $0xFFFF  }
0x67: {  	_ =	shalt  }

</sc_bundles>
